<compile_context>
chip_gen: v7x
topology: tpu7x:2x2x1
jax: 0.10.2.dev20260603
libtpu: 0.0.44.dev20260713+nightly
codegen_flags: <defaults>
</compile_context>

<pallas_src>
import functools
import math

import jax
import jax.numpy as jnp
from jax import lax
from jax.experimental import pallas as pl
from jax.experimental.pallas import tpu as pltpu
from jax.experimental.pallas import tpu_sc as plsc


def _pgen_body(T, S, ds_ref, sm_ref, wq_ref, wk_ref, bq_ref, bk_ref,
               w1_ref, w2_ref, bp_ref, p_ref):
    BT, D = ds_ref.shape
    BS = sm_ref.shape[0]
    ds = ds_ref[...]
    sm = sm_ref[...]
    q = jnp.dot(ds, wq_ref[...], preferred_element_type=jnp.float32) + bq_ref[...]
    k = jnp.dot(sm, wk_ref[...], preferred_element_type=jnp.float32) + bk_ref[...]
    scores = jax.lax.dot_general(
        q, k, (((1,), (1,)), ((), ())),
        preferred_element_type=jnp.float32) * (1.0 / math.sqrt(D))
    rb = jax.lax.broadcasted_iota(jnp.int32, (BT, BS), 0) // T
    cb = jax.lax.broadcasted_iota(jnp.int32, (BT, BS), 1) // S
    scores = jnp.where(rb == cb, scores, -1e30)
    m = jnp.max(scores, axis=1, keepdims=True)
    e = jnp.exp(scores - m)
    attn = e / jnp.sum(e, axis=1, keepdims=True)
    kv = jnp.sum(sm * w2_ref[...], axis=1, keepdims=True)
    ctx = jnp.dot(attn, kv, preferred_element_type=jnp.float32)
    dsw = jnp.sum(ds * w1_ref[...], axis=1, keepdims=True)
    logit = (dsw + ctx + bp_ref[0, 0] - 0.5) * 10.0
    p_ref[...] = jax.nn.sigmoid(logit)


def _make_sc_fill(BT, Vx):
    info = plsc.get_sparse_core_info()
    NC, NS, L = info.num_cores, info.num_subcores, info.num_lanes
    NW = NC * NS
    rows_per_w = BT // NW
    mesh = plsc.VectorSubcoreMesh(core_axis_name="c", subcore_axis_name="s")

    @functools.partial(
        pl.kernel, mesh=mesh,
        out_type=jax.ShapeDtypeStruct((BT, Vx), jnp.float32),
        scratch_types=[
            pltpu.VMEM((1, Vx), jnp.float32),
            pltpu.SemaphoreType.DMA,
        ],
    )
    def fill(out_hbm, zrow, sem):
        wid = lax.axis_index("s") * NC + lax.axis_index("c")
        base = wid * rows_per_w
        zero16 = jnp.zeros((L,), jnp.float32)

        def zstep(i, _):
            zrow[0, pl.ds(i * L, L)] = zero16
            return 0

        lax.fori_loop(0, Vx // L, zstep, 0)
        cps = [
            pltpu.make_async_copy(
                zrow, out_hbm.at[pl.ds(base + r, 1), :], sem)
            for r in range(rows_per_w)
        ]
        for c in cps:
            c.start()
        for c in cps:
            c.wait()

    return fill


def kernel(decoder_states, scene_memory, triplets, tokenizer, embedding_weight,
           device, W_q, b_q, W_k, b_k, W_pgen, b_pgen):
    Bx, Tx, Dx = decoder_states.shape
    Sx = scene_memory.shape[1]
    Vx = embedding_weight.shape[0]
    BT = Bx * Tx
    BS = Bx * Sx

    ds = decoder_states.reshape(BT, Dx)
    sm = scene_memory.reshape(BS, Dx)
    w1 = W_pgen[:Dx, :].T
    w2 = W_pgen[Dx:, :].T
    bq = b_q.reshape(1, Dx)
    bk = b_k.reshape(1, Dx)
    bp = b_pgen.reshape(1, 1)

    p = pl.pallas_call(
        functools.partial(_pgen_body, Tx, Sx),
        out_shape=jax.ShapeDtypeStruct((BT, 1), jnp.float32),
    )(ds, sm, W_q, W_k, bq, bk, w1, w2, bp)

    fill = _make_sc_fill(BT, Vx)()

    return (p.reshape(Bx, Tx, 1), fill.reshape(Bx, Tx, Vx))

# --- scband reference (transcript-rebuilt; emitter-appended) ---
"""Pipeline reference for scband-hierarchical-pointer-head-v2-55980603736508 (READ-ONLY COPY).

The authoritative reference and input builder live on the scoring server;
editing this copy changes nothing except your own understanding.
"""

import jax, jax.numpy as jnp
import numpy as np
import math

B, T, S, D, V = 4, 64, 128, 1024, 50000

def setup_inputs(seed=0) -> dict:
    key = jax.random.key(seed)
    ks = jax.random.split(key, 6)
    return {
        "decoder_states": jax.random.normal(ks[0], (B, T, D), dtype=jnp.float32),
        "scene_memory": jax.random.normal(ks[1], (B, S, D), dtype=jnp.float32),
        "triplets": 0,
        "tokenizer": 0,
        "embedding_weight": jax.random.normal(ks[2], (V, D), dtype=jnp.float32),
        "device": 0,
        "W_q": jax.random.normal(ks[3], (D, D), dtype=jnp.float32) * 0.02,
        "b_q": jnp.zeros((D,), dtype=jnp.float32),
        "W_k": jax.random.normal(ks[4], (D, D), dtype=jnp.float32) * 0.02,
        "b_k": jnp.zeros((D,), dtype=jnp.float32),
        "W_pgen": jax.random.normal(ks[5], (2 * D, 1), dtype=jnp.float32) * 0.02,
        "b_pgen": jnp.full((1,), 3.0, dtype=jnp.float32),
    }

def reference(decoder_states, scene_memory, triplets, tokenizer, embedding_weight, device, W_q, b_q, W_k, b_k, W_pgen, b_pgen):
    Bx, Tx, Dx = decoder_states.shape
    Sx = scene_memory.shape[1]
    Vx = embedding_weight.shape[0]
    q = decoder_states @ W_q + b_q
    k = scene_memory @ W_k + b_k
    scores = jnp.einsum('btd,bsd->bts', q, k) / math.sqrt(Dx)
    scene_attn = jax.nn.softmax(scores, axis=-1)
    context = jnp.einsum('bts,bsd->btd', scene_attn, scene_memory)
    gate_in = jnp.concatenate([decoder_states, context], axis=-1)
    p_gen = jax.nn.sigmoid((gate_in @ W_pgen + b_pgen - 0.5) * 10.0)
    # triplets is falsy (no tokenizer path taken), so scene_to_token stays all-zeros,
    # matching the torch module's behavior when triplets is empty/None.
    aux_zero = (jnp.asarray(triplets) + jnp.asarray(tokenizer) + jnp.asarray(device)).astype(decoder_states.dtype) * 0
    scene_to_token = jnp.zeros((Bx, Sx, Vx), dtype=decoder_states.dtype) + aux_zero
    pointer_probs = jnp.einsum('bts,bsv->btv', scene_attn, scene_to_token)
    return (p_gen, pointer_probs)

if __name__ == "__main__":
    import jax
    _d = setup_inputs()
    print(jax.jit(kernel)(*tuple(_d.values())))

</pallas_src>

<mosaic_0001>
#map = affine_map<(d0, d1) -> (0, 0)>
module attributes {stable_mosaic.version = 14 : i64} {
  func.func @fill(%arg0: i32, %arg1: i32, %arg2: memref<256x50000xf32, #tpu.memory_space<hbm>>, %arg3: memref<1x50000xf32, #tpu.memory_space<vmem>>, %arg4: memref<!tpu.dma_semaphore, #tpu.memory_space<semaphore_mem>>) attributes {dimension_semantics = [#tpu.dimension_semantics<core_parallel>, #tpu.dimension_semantics<subcore_parallel>], iteration_bounds = array<i64: 2, 16>, scalar_prefetch = 0 : i64, scratch_operands = 2 : i64, tpu.core_type = #tpu.core_type<sc_vector_subcore>, window_params = [{transform_indices = #map}]} {
    %mul3A = arith.constant 2 : i32
    %mul3A_0 = arith.muli %arg1, %mul3A : i32
    %add3A = arith.addi %mul3A_0, %arg0 : i32
    %mul3A_1 = arith.constant 8 : i32
    %mul3A_2 = arith.muli %add3A, %mul3A_1 : i32
    %broadcast_in_dim3A = arith.constant 0.000000e+00 : f32
    %broadcast_in_dim3A_3 = vector.broadcast %broadcast_in_dim3A : f32 to vector<16xf32>
    %scan3A = arith.constant 0 : i32
    %scan3A_4 = arith.constant 0 : i32
    %scan3A_5 = arith.constant 3125 : i32
    %scan3A_6 = arith.addi %scan3A_4, %scan3A_5 : i32
    %scan3A_7 = arith.constant 1 : i32
    %scan3A_8 = scf.for %scan3A_88 = %scan3A_4 to %scan3A_6 step %scan3A_7 iter_args(%scan3A_89 = %scan3A) -> (i32)  : i32 {
      %mul3A_90 = arith.constant 16 : i32
      %mul3A_91 = arith.muli %scan3A_88, %mul3A_90 : i32
      %swap3A = arith.constant 0 : i32
      %swap3A_92 = arith.index_cast %swap3A : i32 to index
      %swap3A_93 = arith.index_cast %mul3A_91 : i32 to index
      %swap3A_94 = tpu.vector_load %arg3[%swap3A_92, %swap3A_93] {strides = array<i32>} : memref<1x50000xf32, #tpu.memory_space<vmem>>, vector<1x16xf32>,
      %swap3A_95 = vector.shape_cast %swap3A_94 : vector<1x16xf32> to vector<16xf32>
      %swap3A_96 = vector.shape_cast %broadcast_in_dim3A_3 : vector<16xf32> to vector<1x16xf32>
      tpu.vector_store %arg3[%swap3A_92, %swap3A_93], %swap3A_96 {strides = array<i32>} : memref<1x50000xf32, #tpu.memory_space<vmem>>, vector<1x16xf32>,
      %scan3A_97 = arith.constant 0 : i32
      scf.yield %scan3A_97 : i32
    }
    %scan3A_9 = arith.constant 3125 : i32
    %add3A_10 = arith.constant 0 : i32
    %add3A_11 = arith.addi %mul3A_2, %add3A_10 : i32
    %add3A_12 = arith.constant 1 : i32
    %add3A_13 = arith.addi %mul3A_2, %add3A_12 : i32
    %add3A_14 = arith.constant 2 : i32
    %add3A_15 = arith.addi %mul3A_2, %add3A_14 : i32
    %add3A_16 = arith.constant 3 : i32
    %add3A_17 = arith.addi %mul3A_2, %add3A_16 : i32
    %add3A_18 = arith.constant 4 : i32
    %add3A_19 = arith.addi %mul3A_2, %add3A_18 : i32
    %add3A_20 = arith.constant 5 : i32
    %add3A_21 = arith.addi %mul3A_2, %add3A_20 : i32
    %add3A_22 = arith.constant 6 : i32
    %add3A_23 = arith.addi %mul3A_2, %add3A_22 : i32
    %add3A_24 = arith.constant 7 : i32
    %add3A_25 = arith.addi %mul3A_2, %add3A_24 : i32
    %dma_start3A = arith.constant 0 : i32
    %dma_start3A_26 = tpu.memref_slice %arg2[%add3A_11, %dma_start3A] : memref<256x50000xf32, #tpu.memory_space<hbm>> -> memref<1x50000xf32, #tpu.memory_space<hbm>>
    %dma_start3A_27 = arith.constant 0 : i32
    %dma_start3A_28 = tpu.memref_slice %arg2[%add3A_11, %dma_start3A_27] : memref<256x50000xf32, #tpu.memory_space<hbm>> -> memref<1x50000xf32, #tpu.memory_space<hbm>>
    tpu.enqueue_dma source(%arg3 : memref<1x50000xf32, #tpu.memory_space<vmem>>) target(%dma_start3A_28 : memref<1x50000xf32, #tpu.memory_space<hbm>>) target_semaphore(%arg4 : memref<!tpu.dma_semaphore, #tpu.memory_space<semaphore_mem>>)
    %dma_start3A_29 = arith.constant 0 : i32
    %dma_start3A_30 = tpu.memref_slice %arg2[%add3A_13, %dma_start3A_29] : memref<256x50000xf32, #tpu.memory_space<hbm>> -> memref<1x50000xf32, #tpu.memory_space<hbm>>
    %dma_start3A_31 = arith.constant 0 : i32
    %dma_start3A_32 = tpu.memref_slice %arg2[%add3A_13, %dma_start3A_31] : memref<256x50000xf32, #tpu.memory_space<hbm>> -> memref<1x50000xf32, #tpu.memory_space<hbm>>
    tpu.enqueue_dma source(%arg3 : memref<1x50000xf32, #tpu.memory_space<vmem>>) target(%dma_start3A_32 : memref<1x50000xf32, #tpu.memory_space<hbm>>) target_semaphore(%arg4 : memref<!tpu.dma_semaphore, #tpu.memory_space<semaphore_mem>>)
    %dma_start3A_33 = arith.constant 0 : i32
    %dma_start3A_34 = tpu.memref_slice %arg2[%add3A_15, %dma_start3A_33] : memref<256x50000xf32, #tpu.memory_space<hbm>> -> memref<1x50000xf32, #tpu.memory_space<hbm>>
    %dma_start3A_35 = arith.constant 0 : i32
    %dma_start3A_36 = tpu.memref_slice %arg2[%add3A_15, %dma_start3A_35] : memref<256x50000xf32, #tpu.memory_space<hbm>> -> memref<1x50000xf32, #tpu.memory_space<hbm>>
    tpu.enqueue_dma source(%arg3 : memref<1x50000xf32, #tpu.memory_space<vmem>>) target(%dma_start3A_36 : memref<1x50000xf32, #tpu.memory_space<hbm>>) target_semaphore(%arg4 : memref<!tpu.dma_semaphore, #tpu.memory_space<semaphore_mem>>)
    %dma_start3A_37 = arith.constant 0 : i32
    %dma_start3A_38 = tpu.memref_slice %arg2[%add3A_17, %dma_start3A_37] : memref<256x50000xf32, #tpu.memory_space<hbm>> -> memref<1x50000xf32, #tpu.memory_space<hbm>>
    %dma_start3A_39 = arith.constant 0 : i32
    %dma_start3A_40 = tpu.memref_slice %arg2[%add3A_17, %dma_start3A_39] : memref<256x50000xf32, #tpu.memory_space<hbm>> -> memref<1x50000xf32, #tpu.memory_space<hbm>>
    tpu.enqueue_dma source(%arg3 : memref<1x50000xf32, #tpu.memory_space<vmem>>) target(%dma_start3A_40 : memref<1x50000xf32, #tpu.memory_space<hbm>>) target_semaphore(%arg4 : memref<!tpu.dma_semaphore, #tpu.memory_space<semaphore_mem>>)
    %dma_start3A_41 = arith.constant 0 : i32
    %dma_start3A_42 = tpu.memref_slice %arg2[%add3A_19, %dma_start3A_41] : memref<256x50000xf32, #tpu.memory_space<hbm>> -> memref<1x50000xf32, #tpu.memory_space<hbm>>
    %dma_start3A_43 = arith.constant 0 : i32
    %dma_start3A_44 = tpu.memref_slice %arg2[%add3A_19, %dma_start3A_43] : memref<256x50000xf32, #tpu.memory_space<hbm>> -> memref<1x50000xf32, #tpu.memory_space<hbm>>
    tpu.enqueue_dma source(%arg3 : memref<1x50000xf32, #tpu.memory_space<vmem>>) target(%dma_start3A_44 : memref<1x50000xf32, #tpu.memory_space<hbm>>) target_semaphore(%arg4 : memref<!tpu.dma_semaphore, #tpu.memory_space<semaphore_mem>>)
    %dma_start3A_45 = arith.constant 0 : i32
    %dma_start3A_46 = tpu.memref_slice %arg2[%add3A_21, %dma_start3A_45] : memref<256x50000xf32, #tpu.memory_space<hbm>> -> memref<1x50000xf32, #tpu.memory_space<hbm>>
    %dma_start3A_47 = arith.constant 0 : i32
    %dma_start3A_48 = tpu.memref_slice %arg2[%add3A_21, %dma_start3A_47] : memref<256x50000xf32, #tpu.memory_space<hbm>> -> memref<1x50000xf32, #tpu.memory_space<hbm>>
    tpu.enqueue_dma source(%arg3 : memref<1x50000xf32, #tpu.memory_space<vmem>>) target(%dma_start3A_48 : memref<1x50000xf32, #tpu.memory_space<hbm>>) target_semaphore(%arg4 : memref<!tpu.dma_semaphore, #tpu.memory_space<semaphore_mem>>)
    %dma_start3A_49 = arith.constant 0 : i32
    %dma_start3A_50 = tpu.memref_slice %arg2[%add3A_23, %dma_start3A_49] : memref<256x50000xf32, #tpu.memory_space<hbm>> -> memref<1x50000xf32, #tpu.memory_space<hbm>>
    %dma_start3A_51 = arith.constant 0 : i32
    %dma_start3A_52 = tpu.memref_slice %arg2[%add3A_23, %dma_start3A_51] : memref<256x50000xf32, #tpu.memory_space<hbm>> -> memref<1x50000xf32, #tpu.memory_space<hbm>>
    tpu.enqueue_dma source(%arg3 : memref<1x50000xf32, #tpu.memory_space<vmem>>) target(%dma_start3A_52 : memref<1x50000xf32, #tpu.memory_space<hbm>>) target_semaphore(%arg4 : memref<!tpu.dma_semaphore, #tpu.memory_space<semaphore_mem>>)
    %dma_start3A_53 = arith.constant 0 : i32
    %dma_start3A_54 = tpu.memref_slice %arg2[%add3A_25, %dma_start3A_53] : memref<256x50000xf32, #tpu.memory_space<hbm>> -> memref<1x50000xf32, #tpu.memory_space<hbm>>
    %dma_start3A_55 = arith.constant 0 : i32
    %dma_start3A_56 = tpu.memref_slice %arg2[%add3A_25, %dma_start3A_55] : memref<256x50000xf32, #tpu.memory_space<hbm>> -> memref<1x50000xf32, #tpu.memory_space<hbm>>
    tpu.enqueue_dma source(%arg3 : memref<1x50000xf32, #tpu.memory_space<vmem>>) target(%dma_start3A_56 : memref<1x50000xf32, #tpu.memory_space<hbm>>) target_semaphore(%arg4 : memref<!tpu.dma_semaphore, #tpu.memory_space<semaphore_mem>>)
    %dma_wait3A = arith.constant 0 : i32
    %dma_wait3A_57 = tpu.memref_slice %arg2[%add3A_11, %dma_wait3A] : memref<256x50000xf32, #tpu.memory_space<hbm>> -> memref<1x50000xf32, #tpu.memory_space<hbm>>
    %dma_wait3A_58 = arith.constant 0 : i32
    %dma_wait3A_59 = tpu.memref_slice %arg2[%add3A_11, %dma_wait3A_58] : memref<256x50000xf32, #tpu.memory_space<hbm>> -> memref<1x50000xf32, #tpu.memory_space<hbm>>
    tpu.wait_dma2 semaphore(%arg4 : memref<!tpu.dma_semaphore, #tpu.memory_space<semaphore_mem>>) src(%arg3 : memref<1x50000xf32, #tpu.memory_space<vmem>>) dst(%dma_wait3A_59 : memref<1x50000xf32, #tpu.memory_space<hbm>>)
    %dma_wait3A_60 = arith.constant 0 : i32
    %dma_wait3A_61 = tpu.memref_slice %arg2[%add3A_13, %dma_wait3A_60] : memref<256x50000xf32, #tpu.memory_space<hbm>> -> memref<1x50000xf32, #tpu.memory_space<hbm>>
    %dma_wait3A_62 = arith.constant 0 : i32
    %dma_wait3A_63 = tpu.memref_slice %arg2[%add3A_13, %dma_wait3A_62] : memref<256x50000xf32, #tpu.memory_space<hbm>> -> memref<1x50000xf32, #tpu.memory_space<hbm>>
    tpu.wait_dma2 semaphore(%arg4 : memref<!tpu.dma_semaphore, #tpu.memory_space<semaphore_mem>>) src(%arg3 : memref<1x50000xf32, #tpu.memory_space<vmem>>) dst(%dma_wait3A_63 : memref<1x50000xf32, #tpu.memory_space<hbm>>)
    %dma_wait3A_64 = arith.constant 0 : i32
    %dma_wait3A_65 = tpu.memref_slice %arg2[%add3A_15, %dma_wait3A_64] : memref<256x50000xf32, #tpu.memory_space<hbm>> -> memref<1x50000xf32, #tpu.memory_space<hbm>>
    %dma_wait3A_66 = arith.constant 0 : i32
    %dma_wait3A_67 = tpu.memref_slice %arg2[%add3A_15, %dma_wait3A_66] : memref<256x50000xf32, #tpu.memory_space<hbm>> -> memref<1x50000xf32, #tpu.memory_space<hbm>>
    tpu.wait_dma2 semaphore(%arg4 : memref<!tpu.dma_semaphore, #tpu.memory_space<semaphore_mem>>) src(%arg3 : memref<1x50000xf32, #tpu.memory_space<vmem>>) dst(%dma_wait3A_67 : memref<1x50000xf32, #tpu.memory_space<hbm>>)
    %dma_wait3A_68 = arith.constant 0 : i32
    %dma_wait3A_69 = tpu.memref_slice %arg2[%add3A_17, %dma_wait3A_68] : memref<256x50000xf32, #tpu.memory_space<hbm>> -> memref<1x50000xf32, #tpu.memory_space<hbm>>
    %dma_wait3A_70 = arith.constant 0 : i32
    %dma_wait3A_71 = tpu.memref_slice %arg2[%add3A_17, %dma_wait3A_70] : memref<256x50000xf32, #tpu.memory_space<hbm>> -> memref<1x50000xf32, #tpu.memory_space<hbm>>
    tpu.wait_dma2 semaphore(%arg4 : memref<!tpu.dma_semaphore, #tpu.memory_space<semaphore_mem>>) src(%arg3 : memref<1x50000xf32, #tpu.memory_space<vmem>>) dst(%dma_wait3A_71 : memref<1x50000xf32, #tpu.memory_space<hbm>>)
    %dma_wait3A_72 = arith.constant 0 : i32
    %dma_wait3A_73 = tpu.memref_slice %arg2[%add3A_19, %dma_wait3A_72] : memref<256x50000xf32, #tpu.memory_space<hbm>> -> memref<1x50000xf32, #tpu.memory_space<hbm>>
    %dma_wait3A_74 = arith.constant 0 : i32
    %dma_wait3A_75 = tpu.memref_slice %arg2[%add3A_19, %dma_wait3A_74] : memref<256x50000xf32, #tpu.memory_space<hbm>> -> memref<1x50000xf32, #tpu.memory_space<hbm>>
    tpu.wait_dma2 semaphore(%arg4 : memref<!tpu.dma_semaphore, #tpu.memory_space<semaphore_mem>>) src(%arg3 : memref<1x50000xf32, #tpu.memory_space<vmem>>) dst(%dma_wait3A_75 : memref<1x50000xf32, #tpu.memory_space<hbm>>)
    %dma_wait3A_76 = arith.constant 0 : i32
    %dma_wait3A_77 = tpu.memref_slice %arg2[%add3A_21, %dma_wait3A_76] : memref<256x50000xf32, #tpu.memory_space<hbm>> -> memref<1x50000xf32, #tpu.memory_space<hbm>>
    %dma_wait3A_78 = arith.constant 0 : i32
    %dma_wait3A_79 = tpu.memref_slice %arg2[%add3A_21, %dma_wait3A_78] : memref<256x50000xf32, #tpu.memory_space<hbm>> -> memref<1x50000xf32, #tpu.memory_space<hbm>>
    tpu.wait_dma2 semaphore(%arg4 : memref<!tpu.dma_semaphore, #tpu.memory_space<semaphore_mem>>) src(%arg3 : memref<1x50000xf32, #tpu.memory_space<vmem>>) dst(%dma_wait3A_79 : memref<1x50000xf32, #tpu.memory_space<hbm>>)
    %dma_wait3A_80 = arith.constant 0 : i32
    %dma_wait3A_81 = tpu.memref_slice %arg2[%add3A_23, %dma_wait3A_80] : memref<256x50000xf32, #tpu.memory_space<hbm>> -> memref<1x50000xf32, #tpu.memory_space<hbm>>
    %dma_wait3A_82 = arith.constant 0 : i32
    %dma_wait3A_83 = tpu.memref_slice %arg2[%add3A_23, %dma_wait3A_82] : memref<256x50000xf32, #tpu.memory_space<hbm>> -> memref<1x50000xf32, #tpu.memory_space<hbm>>
    tpu.wait_dma2 semaphore(%arg4 : memref<!tpu.dma_semaphore, #tpu.memory_space<semaphore_mem>>) src(%arg3 : memref<1x50000xf32, #tpu.memory_space<vmem>>) dst(%dma_wait3A_83 : memref<1x50000xf32, #tpu.memory_space<hbm>>)
    %dma_wait3A_84 = arith.constant 0 : i32
    %dma_wait3A_85 = tpu.memref_slice %arg2[%add3A_25, %dma_wait3A_84] : memref<256x50000xf32, #tpu.memory_space<hbm>> -> memref<1x50000xf32, #tpu.memory_space<hbm>>
    %dma_wait3A_86 = arith.constant 0 : i32
    %dma_wait3A_87 = tpu.memref_slice %arg2[%add3A_25, %dma_wait3A_86] : memref<256x50000xf32, #tpu.memory_space<hbm>> -> memref<1x50000xf32, #tpu.memory_space<hbm>>
    tpu.wait_dma2 semaphore(%arg4 : memref<!tpu.dma_semaphore, #tpu.memory_space<semaphore_mem>>) src(%arg3 : memref<1x50000xf32, #tpu.memory_space<vmem>>) dst(%dma_wait3A_87 : memref<1x50000xf32, #tpu.memory_space<hbm>>)
    return
  }
}

module attributes {stable_mosaic.version = 14 : i64} {
  func.func @_pgen_body(%arg0: memref<256x1024xf32, #tpu.memory_space<vmem>>, %arg1: memref<512x1024xf32, #tpu.memory_space<vmem>>, %arg2: memref<1024x1024xf32, #tpu.memory_space<vmem>>, %arg3: memref<1024x1024xf32, #tpu.memory_space<vmem>>, %arg4: memref<1x1024xf32, #tpu.memory_space<vmem>>, %arg5: memref<1x1024xf32, #tpu.memory_space<vmem>>, %arg6: memref<1x1024xf32, #tpu.memory_space<vmem>>, %arg7: memref<1x1024xf32, #tpu.memory_space<vmem>>, %arg8: memref<1x1xf32, #tpu.memory_space<vmem>>, %arg9: memref<256x1xf32, #tpu.memory_space<vmem>>) attributes {dimension_semantics = [], scalar_prefetch = 0 : i64, scratch_operands = 0 : i64, tpu.core_type = #tpu.core_type<tc>} {
    %get3A = arith.constant 0 : index
    %get3A_0 = arith.constant 0 : index
    %get3A_1 = vector.load %arg0[%get3A, %get3A_0] : memref<256x1024xf32, #tpu.memory_space<vmem>>, vector<256x1024xf32>
    %get3A_2 = arith.constant 0 : index
    %get3A_3 = arith.constant 0 : index
    %get3A_4 = vector.load %arg1[%get3A_2, %get3A_3] : memref<512x1024xf32, #tpu.memory_space<vmem>>, vector<512x1024xf32>
    %get3A_5 = arith.constant 0 : index
    %get3A_6 = arith.constant 0 : index
    %get3A_7 = vector.load %arg2[%get3A_5, %get3A_6] : memref<1024x1024xf32, #tpu.memory_space<vmem>>, vector<1024x1024xf32>
    %dot_general3A = arith.constant dense<0.000000e+00> : vector<256x1024xf32>
    %dot_general3A_8 = tpu.matmul %get3A_1, %get3A_7, %dot_general3A {dimension_numbers = #tpu.dot_dimension_numbers<[1], [0], [0], [1], [0, 0, 1, 1], [], []>, transpose_lhs_hint = false} : vector<256x1024xf32>, vector<1024x1024xf32>, vector<256x1024xf32> -> vector<256x1024xf32>
    %get3A_9 = arith.constant 0 : index
    %get3A_10 = arith.constant 0 : index
    %get3A_11 = vector.load %arg4[%get3A_9, %get3A_10] : memref<1x1024xf32, #tpu.memory_space<vmem>>, vector<1x1024xf32>
    %add3A = vector.broadcast %get3A_11 : vector<1x1024xf32> to vector<256x1024xf32>
    %add3A_12 = arith.addf %dot_general3A_8, %add3A : vector<256x1024xf32>
    %get3A_13 = arith.constant 0 : index
    %get3A_14 = arith.constant 0 : index
    %get3A_15 = vector.load %arg3[%get3A_13, %get3A_14] : memref<1024x1024xf32, #tpu.memory_space<vmem>>, vector<1024x1024xf32>
    %dot_general3A_16 = arith.constant dense<0.000000e+00> : vector<512x1024xf32>
    %dot_general3A_17 = tpu.matmul %get3A_4, %get3A_15, %dot_general3A_16 {dimension_numbers = #tpu.dot_dimension_numbers<[1], [0], [0], [1], [0, 0, 1, 1], [], []>, transpose_lhs_hint = false} : vector<512x1024xf32>, vector<1024x1024xf32>, vector<512x1024xf32> -> vector<512x1024xf32>
    %get3A_18 = arith.constant 0 : index
    %get3A_19 = arith.constant 0 : index
    %get3A_20 = vector.load %arg5[%get3A_18, %get3A_19] : memref<1x1024xf32, #tpu.memory_space<vmem>>, vector<1x1024xf32>
    %add3A_21 = vector.broadcast %get3A_20 : vector<1x1024xf32> to vector<512x1024xf32>
    %add3A_22 = arith.addf %dot_general3A_17, %add3A_21 : vector<512x1024xf32>
    %dot_general3A_23 = arith.constant dense<0.000000e+00> : vector<256x512xf32>
    %dot_general3A_24 = tpu.matmul %add3A_12, %add3A_22, %dot_general3A_23 {dimension_numbers = #tpu.dot_dimension_numbers<[1], [1], [0], [0], [0, 0, 1, 0], [], []>, transpose_lhs_hint = false} : vector<256x1024xf32>, vector<512x1024xf32>, vector<256x512xf32> -> vector<256x512xf32>
    %mul3A = arith.constant 3.125000e-02 : f32
    %mul3A_25 = vector.broadcast %mul3A : f32 to vector<256x512xf32>
    %mul3A_26 = arith.mulf %dot_general3A_24, %mul3A_25 : vector<256x512xf32>
    %iota3A = tpu.iota {dimensions = array<i32: 0>} : vector<256x512xi32>
    %jit3A = arith.constant 64 : i32
    %div3A = vector.broadcast %jit3A : i32 to vector<256x512xi32>
    %div3A_27 = arith.divsi %iota3A, %div3A : vector<256x512xi32>
    %sign3A = arith.constant 0 : i32
    %sign3A_28 = vector.broadcast %sign3A : i32 to vector<256x512xi32>
    %sign3A_29 = arith.cmpi sgt, %iota3A, %sign3A_28 : vector<256x512xi32>
    %sign3A_30 = arith.extui %sign3A_29 : vector<256x512xi1> to vector<256x512xi32>
    %sign3A_31 = arith.constant 0 : i32
    %sign3A_32 = vector.broadcast %sign3A_31 : i32 to vector<256x512xi32>
    %sign3A_33 = arith.cmpi slt, %iota3A, %sign3A_32 : vector<256x512xi32>
    %sign3A_34 = arith.extui %sign3A_33 : vector<256x512xi1> to vector<256x512xi32>
    %sign3A_35 = arith.subi %sign3A_30, %sign3A_34 : vector<256x512xi32>
    %sign3A_36 = arith.constant 0 : i32
    %sign3A_37 = arith.cmpi sgt, %jit3A, %sign3A_36 : i32
    %sign3A_38 = arith.extui %sign3A_37 : i1 to i32
    %sign3A_39 = arith.constant 0 : i32
    %sign3A_40 = arith.cmpi slt, %jit3A, %sign3A_39 : i32
    %sign3A_41 = arith.extui %sign3A_40 : i1 to i32
    %sign3A_42 = arith.subi %sign3A_38, %sign3A_41 : i32
    %ne3A = vector.broadcast %sign3A_42 : i32 to vector<256x512xi32>
    %ne3A_43 = arith.cmpi ne, %sign3A_35, %ne3A : vector<256x512xi32>
    %rem3A = vector.broadcast %jit3A : i32 to vector<256x512xi32>
    %rem3A_44 = arith.remsi %iota3A, %rem3A : vector<256x512xi32>
    %ne3A_45 = arith.constant 0 : i32
    %ne3A_46 = vector.broadcast %ne3A_45 : i32 to vector<256x512xi32>
    %ne3A_47 = arith.cmpi ne, %rem3A_44, %ne3A_46 : vector<256x512xi32>
    %and3A = arith.andi %ne3A_43, %ne3A_47 : vector<256x512xi1>
    %sub3A = arith.constant 1 : i32
    %sub3A_48 = vector.broadcast %sub3A : i32 to vector<256x512xi32>
    %sub3A_49 = arith.subi %div3A_27, %sub3A_48 : vector<256x512xi32>
    %select_n3A = arith.select %and3A, %sub3A_49, %div3A_27 : vector<256x512xi1>, vector<256x512xi32>
    %iota3A_50 = tpu.iota {dimensions = array<i32: 1>} : vector<256x512xi32>
    %jit3A_51 = arith.constant 128 : i32
    %div3A_52 = vector.broadcast %jit3A_51 : i32 to vector<256x512xi32>
    %div3A_53 = arith.divsi %iota3A_50, %div3A_52 : vector<256x512xi32>
    %sign3A_54 = arith.constant 0 : i32
    %sign3A_55 = vector.broadcast %sign3A_54 : i32 to vector<256x512xi32>
    %sign3A_56 = arith.cmpi sgt, %iota3A_50, %sign3A_55 : vector<256x512xi32>
    %sign3A_57 = arith.extui %sign3A_56 : vector<256x512xi1> to vector<256x512xi32>
    %sign3A_58 = arith.constant 0 : i32
    %sign3A_59 = vector.broadcast %sign3A_58 : i32 to vector<256x512xi32>
    %sign3A_60 = arith.cmpi slt, %iota3A_50, %sign3A_59 : vector<256x512xi32>
    %sign3A_61 = arith.extui %sign3A_60 : vector<256x512xi1> to vector<256x512xi32>
    %sign3A_62 = arith.subi %sign3A_57, %sign3A_61 : vector<256x512xi32>
    %sign3A_63 = arith.constant 0 : i32
    %sign3A_64 = arith.cmpi sgt, %jit3A_51, %sign3A_63 : i32
    %sign3A_65 = arith.extui %sign3A_64 : i1 to i32
    %sign3A_66 = arith.constant 0 : i32
    %sign3A_67 = arith.cmpi slt, %jit3A_51, %sign3A_66 : i32
    %sign3A_68 = arith.extui %sign3A_67 : i1 to i32
    %sign3A_69 = arith.subi %sign3A_65, %sign3A_68 : i32
    %ne3A_70 = vector.broadcast %sign3A_69 : i32 to vector<256x512xi32>
    %ne3A_71 = arith.cmpi ne, %sign3A_62, %ne3A_70 : vector<256x512xi32>
    %rem3A_72 = vector.broadcast %jit3A_51 : i32 to vector<256x512xi32>
    %rem3A_73 = arith.remsi %iota3A_50, %rem3A_72 : vector<256x512xi32>
    %ne3A_74 = arith.constant 0 : i32
    %ne3A_75 = vector.broadcast %ne3A_74 : i32 to vector<256x512xi32>
    %ne3A_76 = arith.cmpi ne, %rem3A_73, %ne3A_75 : vector<256x512xi32>
    %and3A_77 = arith.andi %ne3A_71, %ne3A_76 : vector<256x512xi1>
    %sub3A_78 = arith.constant 1 : i32
    %sub3A_79 = vector.broadcast %sub3A_78 : i32 to vector<256x512xi32>
    %sub3A_80 = arith.subi %div3A_53, %sub3A_79 : vector<256x512xi32>
    %select_n3A_81 = arith.select %and3A_77, %sub3A_80, %div3A_53 : vector<256x512xi1>, vector<256x512xi32>
    %eq3A = arith.cmpi eq, %select_n3A, %select_n3A_81 : vector<256x512xi32>
    %jit3A_82 = arith.constant -1.000000e+30 : f32
    %broadcast_in_dim3A = vector.broadcast %jit3A_82 : f32 to vector<256x512xf32>
    %select_n3A_83 = arith.select %eq3A, %mul3A_26, %broadcast_in_dim3A : vector<256x512xi1>, vector<256x512xf32>
    %reduce_max3A = arith.constant dense<0xFF800000> : vector<256xf32>
    %reduce_max3A_84 = vector.multi_reduction <maximumf>, %select_n3A_83, %reduce_max3A [1] : vector<256x512xf32> to vector<256xf32>
    %broadcast_in_dim3A_85 = vector.shape_cast %reduce_max3A_84 : vector<256xf32> to vector<256x1xf32>
    %sub3A_86 = vector.broadcast %broadcast_in_dim3A_85 : vector<256x1xf32> to vector<256x512xf32>
    %sub3A_87 = arith.subf %select_n3A_83, %sub3A_86 : vector<256x512xf32>
    %exp3A = math.exp %sub3A_87 : vector<256x512xf32>
    %reduce_sum3A = arith.constant dense<0.000000e+00> : vector<256xf32>
    %reduce_sum3A_88 = vector.multi_reduction <add>, %exp3A, %reduce_sum3A [1] : vector<256x512xf32> to vector<256xf32>
    %broadcast_in_dim3A_89 = vector.shape_cast %reduce_sum3A_88 : vector<256xf32> to vector<256x1xf32>
    %div3A_90 = vector.broadcast %broadcast_in_dim3A_89 : vector<256x1xf32> to vector<256x512xf32>
    %div3A_91 = arith.divf %exp3A, %div3A_90 : vector<256x512xf32>
    %get3A_92 = arith.constant 0 : index
    %get3A_93 = arith.constant 0 : index
    %get3A_94 = vector.load %arg7[%get3A_92, %get3A_93] : memref<1x1024xf32, #tpu.memory_space<vmem>>, vector<1x1024xf32>
    %mul3A_95 = vector.broadcast %get3A_94 : vector<1x1024xf32> to vector<512x1024xf32>
    %mul3A_96 = arith.mulf %get3A_4, %mul3A_95 : vector<512x1024xf32>
    %reduce_sum3A_97 = arith.constant dense<0.000000e+00> : vector<512xf32>
    %reduce_sum3A_98 = vector.multi_reduction <add>, %mul3A_96, %reduce_sum3A_97 [1] : vector<512x1024xf32> to vector<512xf32>
    %broadcast_in_dim3A_99 = vector.shape_cast %reduce_sum3A_98 : vector<512xf32> to vector<512x1xf32>
    %dot_general3A_100 = arith.constant dense<0.000000e+00> : vector<256x1xf32>
    %dot_general3A_101 = tpu.matmul %div3A_91, %broadcast_in_dim3A_99, %dot_general3A_100 {dimension_numbers = #tpu.dot_dimension_numbers<[1], [0], [0], [1], [0, 0, 1, 1], [], []>, transpose_lhs_hint = false} : vector<256x512xf32>, vector<512x1xf32>, vector<256x1xf32> -> vector<256x1xf32>
    %get3A_102 = arith.constant 0 : index
    %get3A_103 = arith.constant 0 : index
    %get3A_104 = vector.load %arg6[%get3A_102, %get3A_103] : memref<1x1024xf32, #tpu.memory_space<vmem>>, vector<1x1024xf32>
    %mul3A_105 = vector.broadcast %get3A_104 : vector<1x1024xf32> to vector<256x1024xf32>
    %mul3A_106 = arith.mulf %get3A_1, %mul3A_105 : vector<256x1024xf32>
    %reduce_sum3A_107 = arith.constant dense<0.000000e+00> : vector<256xf32>
    %reduce_sum3A_108 = vector.multi_reduction <add>, %mul3A_106, %reduce_sum3A_107 [1] : vector<256x1024xf32> to vector<256xf32>
    %broadcast_in_dim3A_109 = vector.shape_cast %reduce_sum3A_108 : vector<256xf32> to vector<256x1xf32>
    %add3A_110 = arith.addf %broadcast_in_dim3A_109, %dot_general3A_101 : vector<256x1xf32>
    %get3A_111 = arith.constant 0 : index
    %get3A_112 = arith.constant 0 : index
    %get3A_113 = vector.load %arg8[%get3A_111, %get3A_112] : memref<1x1xf32, #tpu.memory_space<vmem>>, vector<1x1xf32>
    %get3A_114 = vector.extract %get3A_113[0, 0] : f32 from vector<1x1xf32>
    %add3A_115 = vector.broadcast %get3A_114 : f32 to vector<256x1xf32>
    %add3A_116 = arith.addf %add3A_110, %add3A_115 : vector<256x1xf32>
    %sub3A_117 = arith.constant 5.000000e-01 : f32
    %sub3A_118 = vector.broadcast %sub3A_117 : f32 to vector<256x1xf32>
    %sub3A_119 = arith.subf %add3A_116, %sub3A_118 : vector<256x1xf32>
    %mul3A_120 = arith.constant 1.000000e+01 : f32
    %mul3A_121 = vector.broadcast %mul3A_120 : f32 to vector<256x1xf32>
    %mul3A_122 = arith.mulf %sub3A_119, %mul3A_121 : vector<256x1xf32>
    %logistic3A = arith.negf %mul3A_122 : vector<256x1xf32>
    %logistic3A_123 = math.exp %logistic3A : vector<256x1xf32>
    %logistic3A_124 = arith.constant 1.000000e+00 : f32
    %logistic3A_125 = vector.broadcast %logistic3A_124 : f32 to vector<256x1xf32>
    %logistic3A_126 = arith.addf %logistic3A_125, %logistic3A_123 : vector<256x1xf32>
    %logistic3A_127 = arith.divf %logistic3A_125, %logistic3A_126 : vector<256x1xf32>
    %swap3A = arith.constant 0 : index
    %swap3A_128 = arith.constant 0 : index
    %swap3A_129 = vector.load %arg9[%swap3A, %swap3A_128] : memref<256x1xf32, #tpu.memory_space<vmem>>, vector<256x1xf32>
    tpu.vector_store %arg9[%swap3A, %swap3A_128], %logistic3A_127 {strides = array<i32>} : memref<256x1xf32, #tpu.memory_space<vmem>>, vector<256x1xf32>,
    return
  }
}

</mosaic_0001>

<sc_bundles>
// kernel: kernel.4.cloned.1.call-start
scs
__scs_entry_jumppad:
0x0: {  	(pc) =	sbr.rel $0x88, $3  }
0x1: {  	(tag) =	ssettag $0x0;
	lr =	simm.s32 $0x1  }
0x2: {  	[smem:$0x3F99] =	sst lr;
	_ =	strace $0xD0000000  }
0x3: {  	_ = 	snop  }
0x4: {  	_ = 	snop  }
0x5: {  	_ = 	snop  }
0x6: {  	_ = 	snop  }
0x7: {  	_ = 	snop  }
__scs_overlays_trampoline_lowered:
0x8: {  	[smem:$0x3FA8] =	sst s0  }
0x9: {  	[smem:$0x3FA9] =	sst s1  }
0xa: {  	[smem:$0x3FAA] =	sst s2  }
0xb: {  	[smem:$0x3FAB] =	sst s3  }
0xc: {  	[smem:$0x3FAC] =	sst s4  }
0xd: {  	[smem:$0x3FAD] =	sst s5  }
0xe: {  	[smem:$0x3FAE] =	sst s6  }
0xf: {  	[smem:$0x3FAF] =	sst s7  }
0x10: {  	[smem:$0x3FB0] =	sst s8  }
0x11: {  	[smem:$0x3FB1] =	sst s9;
	s0 =	simm.s32 @!p0 $0x0  }
0x12: {  	s1 =	sld [smem:$0x3F97];
	s0 =	simm.s32 @p0 $0x1  }
0x13: {  	[smem:$0x3FB2] =	sst s0;
	s0 =	simm.s32 @!p1 $0x0  }
0x14: {  	s2 =	sld [smem:$0x3F96];
	s0 =	simm.s32 @p1 $0x1  }
0x15: {  	[smem:$0x3FB3] =	sst s0;
	s0 =	simm.s32 @!p2 $0x0  }
0x16: {  	s3 =	sld [smem:$0x3FDB];
	s0 =	simm.s32 @p2 $0x1  }
0x17: {  	s4 =	simm.s32 $0x1BF5;
	[smem:$0x3FB5] =	sst s0  }
0x18: {  	s0 =	sld [smem:$0x3F98];
	_ =	swait.ge [sflag:s4], $0x0  }
0x19: {  	s7 =	sld [smem:$0x3F99]  }
0x1a: {  	s8 =	sadd.s32 $0xFFFFE003, lr  }
0x1b: {  	s9 =	sadd.s32 $0xFFFFFEF7, lr;
	s5 =	simm.s32 $0xFFFFFFFF;
	p2 =	slt.u32 s8, $0xFFFFF086  }
0x1c: {  	p1 =	slt.u32 s9, $0xF7A;
	s5 =	simm.s32 @!p2 $0x0  }
0x1d: {  	s5 =	simm.s32 @p1 $0x1;
	p0 =	seq.s32 s7, s2  }
0x1e: {  	s7 =	smul.u32 @!p0 $0xF7A, s2;
	p2 =	seq.s32 @!p0 s5, $0x0  }
0x1f: {  	s9 =	smul.u32 $0xF7A, s1;
	s8 =	simm.s32 @!p0 $0x1BF5;
	p2 =	por !p2, p0  }
0x20: {  	[sflag:s8] =	ssyncset.s32 @!p0 $0xFFFFF086;
	s6 =	sadd.s32 @!p0 s3, s7;
	s7 =	simm.s32 @!p0 $0x108  }
0x21: {  	s3 =	sadd.s32 s3, s9;
	s6 =	sadd.s32 @!p0 $0x88, s6;
	s7 =	simm.s32 @p2 $0x1082  }
0x22: {  	[simem:s7], [sflag:s8] =	dma.local @!p0 [hbm:s6], $0xF7A  }
0x23: {  	s9 =	sor.u32 $0xD0000000, s2;
	s6 =	simm.s32 $0x108;
	_ =	swait.ge @!p0 [sflag:s8], $0x0  }
0x24: {  	s3 =	sadd.s32 $0x88, s3;
	s6 =	simm.s32 @!p1 $0x1082;
	[sflag:s4] =	ssyncset.s32 $0xFFFFF086  }
0x25: {  	[simem:s6], [sflag:s4] =	dma.local [hbm:s3], $0xF7A  }
0x26: {  	[smem:$0x3F99] =	sst s1;
	(tag) =	ssettag s2;
	_ =	strace s9  }
0x27: {  	s1 =	sld [smem:$0x3FA9]  }
0x28: {  	s2 =	sld [smem:$0x3FAA]  }
0x29: {  	s4 =	sld [smem:$0x3FAC]  }
0x2a: {  	p0 =	seq.s32 s5, $0x0;
	s5 =	sld [smem:$0x3FAD]  }
0x2b: {  	s6 =	sld [smem:$0x3FAE]  }
0x2c: {  	s7 =	sld [smem:$0x3FAF]  }
0x2d: {  	s3 =	simm.s32 $0x108;
	s8 =	sld [smem:$0x3FB0]  }
0x2e: {  	s3 =	simm.s32 @!p0 $0x1082;
	s9 =	sld [smem:$0x3FB1]  }
0x2f: {  	lr =	sadd.s32 s0, s3;
	s0 =	sld [smem:$0x3FA8]  }
0x30: {  	s3 =	sld [smem:$0x3FAB]  }
0x31: {  	[smem:$0x3FB4] =	sst s10  }
0x32: {  	s10 =	sld [smem:$0x3FB2];
	_ =	sdelay $0x3  }
0x33: {  	p0 =	seq.s32 s10, $0x1;
	s10 =	sld [smem:$0x3FB4];
	_ =	sdelay $0x3  }
0x34: {  	[smem:$0x3FB4] =	sst s10  }
0x35: {  	s10 =	sld [smem:$0x3FB3];
	_ =	sdelay $0x3  }
0x36: {  	p1 =	seq.s32 s10, $0x1;
	s10 =	sld [smem:$0x3FB4];
	_ =	sdelay $0x3  }
0x37: {  	[smem:$0x3FB4] =	sst s10  }
0x38: {  	s10 =	sld [smem:$0x3FB5]  }
0x39: {  	_ = 	snop;
	(pc) =	sbr.ind lr, $3  }
0x3a: {  	_ = 	snop  }
0x3b: {  	_ = 	snop  }
0x3c: {  	p2 =	seq.s32 s10, $0x1;
	s10 =	sld [smem:$0x3FB4]  }
0x3d: {  	_ =	shalt  }
0x3e: {  	_ =	shalt  }
0x3f: {  	_ =	shalt  }
0x40: {  	_ =	shalt  }
0x41: {  	_ =	shalt  }
0x42: {  	_ =	shalt  }
0x43: {  	_ =	shalt  }
0x44: {  	_ =	shalt  }
0x45: {  	_ =	shalt  }
0x46: {  	_ =	shalt  }
0x47: {  	_ =	shalt  }
0x48: {  	_ =	shalt  }
0x49: {  	_ =	shalt  }
0x4a: {  	_ =	shalt  }
0x4b: {  	_ =	shalt  }
0x4c: {  	_ =	shalt  }
0x4d: {  	_ =	shalt  }
0x4e: {  	_ =	shalt  }
0x4f: {  	_ =	shalt  }
0x50: {  	_ =	shalt  }
0x51: {  	_ =	shalt  }
0x52: {  	_ =	shalt  }
0x53: {  	_ =	shalt  }
0x54: {  	_ =	shalt  }
0x55: {  	_ =	shalt  }
0x56: {  	_ =	shalt  }
0x57: {  	_ =	shalt  }
0x58: {  	_ =	shalt  }
0x59: {  	_ =	shalt  }
0x5a: {  	_ =	shalt  }
0x5b: {  	_ =	shalt  }
0x5c: {  	_ =	shalt  }
0x5d: {  	_ =	shalt  }
0x5e: {  	_ =	shalt  }
0x5f: {  	_ =	shalt  }
0x60: {  	_ =	shalt  }
0x61: {  	_ =	shalt  }
0x62: {  	_ =	shalt  }
0x63: {  	_ =	shalt  }
0x64: {  	_ =	shalt  }
0x65: {  	_ =	shalt  }
0x66: {  	_ =	shalt  }
0x67: {  	_ =	shalt  }
0x68: {  	_ =	shalt  }
0x69: {  	_ =	shalt  }
0x6a: {  	_ =	shalt  }
0x6b: {  	_ =	shalt  }
0x6c: {  	_ =	shalt  }
0x6d: {  	_ =	shalt  }
0x6e: {  	_ =	shalt  }
0x6f: {  	_ =	shalt  }
0x70: {  	_ =	shalt  }
0x71: {  	_ =	shalt  }
0x72: {  	_ =	shalt  }
0x73: {  	_ =	shalt  }
0x74: {  	_ =	shalt  }
0x75: {  	_ =	shalt  }
0x76: {  	_ =	shalt  }
0x77: {  	_ =	shalt  }
0x78: {  	_ =	shalt  }
0x79: {  	_ =	shalt  }
0x7a: {  	_ =	shalt  }
0x7b: {  	_ =	shalt  }
0x7c: {  	_ =	shalt  }
0x7d: {  	_ =	shalt  }
0x7e: {  	_ =	shalt  }
0x7f: {  	_ =	shalt  }
0x80: {  	_ =	shalt  }
0x81: {  	_ =	shalt  }
0x82: {  	_ =	shalt  }
0x83: {  	_ =	shalt  }
0x84: {  	_ =	shalt  }
0x85: {  	_ =	shalt  }
0x86: {  	_ =	shalt  }
0x87: {  	_ =	shalt  }
.Lfunc_end0:
.L_simem_size_0:
called_computation_lowered:
.L_overlay_start_0:
0x88: {  	s2 =	sld [smem:$0x3FD9]  }
0x89: {  	s3 =	sld [smem:$0x3FFE];
	_ =	sdelay $0x1  }
0x8a: {  	s1 =	srdreg.scid  }
0x8b: {  	s0 =	sand.u32 $0x1, s1  }
0x8c: {  	s15 =	sshll.u32 s0, $0xA;
	s2 =	sadd.s32 s3, s2  }
0x8d: {  	s2 =	sadd.s32 s2, s15  }
0x8e: {  	[smem:$0x3FC0] =	sst s2  }
0x8f: {  	_ = 	snop  }
0x90: {  	s2 =	sld [smem:$0x3FD0];
	_ =	sdelay $0x2  }
0x91: {  	s16 =	simm.s32 $0xA;
	s4 =	simm.s32 $0x10  }
0x92: {  	[smem:s4], [sflag:s16] =	dma.local [hbm:s2], $0x1  }
0x93: {  	_ =	swait.eq [sflag:s16], $0x1  }
0x94: {  	[sflag:s16] =	ssyncset.done $0x0  }
0x95: {  	[sflag:s16] =	ssyncadd.s32 $0xFFFFFFFF  }
0x96: {  	s17 =	sld [smem:$0x11];
	(tm) =	ssettm $0x1  }
0x97: {  	s18 =	sld [smem:$0x3FFB];
	_ =	sdelay $0x3  }
0x98: {  	_ =	strace s18  }
0x99: {  	s3 =	sld [smem:$0x3FFC];
	_ =	sdelay $0x3  }
0x9a: {  	_ =	strace s3  }
0x9b: {  	s3 =	sld [smem:$0x3FFD];
	_ =	sdelay $0x3  }
0x9c: {  	_ =	strace s3  }
0x9d: {  	_ =	strace $0x8FFFFFFF  }
0x9e: {  	s19 =	sld [smem:$0x3FDB];
	_ =	sdelay $0x1  }
0x9f: {  	s20 =	simm.s32 $_scs_section_size  }
0xa0: {  	s5 =	simm.s32 $_size__tile_overlayer_lowered;
	s6 =	simm.s32 $_tile_overlayer_lowered  }
0xa1: {  	s23 =	simm.s32 $0x1BFF;
	s22 =	sshll.u32 s6, $0x1;
	s3 =	sadd.s32 s20, s19  }
0xa2: {  	s7 =	simm.s32 $0x0;
	s21 =	sshll.u32 s5, $0x1;
	s5 =	sadd.s32 s22, s3  }
0xa3: {  	[timem:s7], [sflag:s23] =	dma.local [hbm:s5], s21  }
0xa4: {  	_ =	swait.ge [sflag:s23], s21  }
0xa5: {  	s4 =	ssub.s32 $0x0, s21;
	[sflag:s23] =	ssyncset.done $0x0  }
0xa6: {  	[sflag:s23] =	ssyncadd.s32 s4;
	_ =	sdelay $0x1  }
0xa7: {  	s24 =	simm.s32 $0x1B8B  }
0xa8: {  	_ =	swait.ge [sflag:s24], $0x1  }
0xa9: {  	[sflag:s24] =	ssyncset.done $0x0  }
0xaa: {  	s25 =	simm.s32 $0x1B8E;
	[sflag:s24] =	ssyncadd.s32 $0xFFFFFFFF  }
0xab: {  	s26 =	simm.s32 $execute0_lowered;
	[smem:$0x3FD2] =	sst s25  }
0xac: {  	s4 =	sshll.u32 s26, $0x1;
	_ =	strace $0x80000046;
	[dreg:$0x1] =	wrdreg $0xFFFFFFFF  }
0xad: {  	s28 =	simm.s32 $_size_execute0_lowered;
	s3 =	sadd.s32 s3, s4;
	[dreg:$0x0] =	wrdreg $0x0  }
0xae: {  	s4 =	sshll.u32 s28, $0x1;
	[dreg:$0x2] =	wrdreg s3  }
0xaf: {  	[dreg:$0x3] =	wrdreg s4  }
0xb0: {  	[dreg:$0x4] =	wrdreg $0xC0  }
0xb1: {  	_ =	task [dreg:s7], $0x5FFFF  }
0xb2: {  	[dreg:$0x1] =	wrdreg $0xFFFFFFFF  }
0xb3: {  	[dreg:$0x0] =	wrdreg $0x60  }
0xb4: {  	[dreg:$0x2] =	wrdreg s17  }
0xb5: {  	[dreg:$0x3] =	wrdreg $0x9  }
0xb6: {  	_ =	task.clear_ibuf [dreg:s7], $0x4FFFF;
	_ =	strace $0x90000046  }
0xb7: {  	s29 =	simm.s32 $0x9;
	_ =	strace $0x80000048  }
0xb8: {  	_ =	swait.ge [sflag:s29], $0x1  }
0xb9: {  	[sflag:s29] =	ssyncadd.s32 $0xFFFFFFFF  }
0xba: {  	_ =	strace $0x90000048  }
0xbb: {  	_ =	sfence  }
0xbc: {  	s30 =	sld [smem:$0x0];
	_ =	sdelay $0x2  }
0xbd: {  	s31 =	sshll.u32 s1, $0xD;
	s1 =	sshrl.u32 s1, $0x2  }
0xbe: {  	s3 =	sand.u32 $0x4000, s31;
	s1 =	sadd.s32 s1, s30  }
0xbf: {  	s0 =	sor.u32 s3, s0;
	s1 =	sshll.u32 s1, $0x11  }
0xc0: {  	s0 =	sor.u32 s1, s0  }
0xc1: {  	s0 =	sadd.s32 $0x8F2B, s0  }
0xc2: {  	[sflag:s0] =	ssyncadd.remote.s32 $0x1  }
0xc3: {  	_ =	sfence.sel $0xFFFF  }
0xc4: {  	[dreg:$0x0] =	wrdreg $0xFFFFFFFF;
	(pc) =	sbr.abs _section_cstart, $3  }
0xc5: {  	[dreg:$0x1] =	wrdreg $0xFFFFFFFF  }
0xc6: {  	_ =	task.clear_ibuf [dreg:s7], $0x2FFFF;
	_ =	strace $0x9FFFFFFF  }
0xc7: {  	(tm) =	ssettm $0x7FFFFFFF  }
tec
execute0_lowered:
.L_overlay_start_1:
0x0: {  	(tag) =	ssettag $0x1  }
0x1: {  	s1 =	srdreg.scid  }
0x2: {  	s0 =	stileid.u32;
	s3 =	rddreg [dreg:$0x0]  }
0x3: {  	s12 =	simm.s32 $0x80;
	s4 =	sand.u32 $0x1, s1;
	s2 =	sshll.u32 s0, $0x1  }
0x4: {  	s13 =	simm.s32 $0x400;
	s14 =	simm.s32 $0x1;
	s5 =	sor.u32 s4, s2  }
0x5: {  	s15 =	simm.s32 $0x0;
	s4 =	ssub.s32 $0x2, s4;
	s5 =	smul.u32 $0xC380, s5  }
0x6: {  	s1 =	rddreg [dreg:$0x1];
	s2 =	simm.s32 $0x0;
	s6 =	sshrl.u32 s4, $0x1  }
0x7: {  	[smem:$0x7FF] =	sst s2;
	s11 =	ssub.s32 s4, s6;
	s3 =	sadd.s32 s3, s5  }
0x8: {  	_ =	strace $0x80000047;
	s11 =	smax.u32 s11, $0x1;
	s4 =	sadd.s32 $0x10, s3  }
0x9: {  	s5 =	sadd.s32 $0x20, s3;
	s6 =	sadd.s32 $0x30, s3;
	s7 =	sadd.s32 $0x40, s3  }
0xa: {  	v0 =	vimm.f32 $0.0e+00;
	s8 =	sadd.s32 $0x50, s3;
	s9 =	sadd.s32 $0x60, s3;
	s10 =	sadd.s32 $0x70, s3  }
.LBB2_1:
0xb: {  	s16 =	simm.s32 $0x40;
	s17 =	simm.s32 $0x0  }
.LBB2_2:
0xc: {  	p0 =	sne.s32 s16, $0x30D00;
	[tilespmem:s17+$0x0] =	vst v0;
	s17 =	smov.u32 s16;
	s16 =	sadd.s32 $0x40, s16  }
.Ltmp0:
0xd: {  	(pc) =	sbr.rel @p0 .LBB2_2-.Ltmp0, $2  }
0xe: {  	_ =	sdelay $0x2  }
0xf: {  	s17 =	sshra.s32 s17, $0x2  }
0x10: {  	[tilespmem:s17+$0x0] =	vst v0  }
0x11: {  	[hbm4b:s3+s12] =	stream.strided.scatter [tilespmem:s2], [sflag:$0x1], $0xC380, s13, s12, $0x38;
	[tilespmem:$0xC380] =	vst v63  }
0x12: {  	_ = 	snop  }
0x13: {  	[hbm4b:s4+s12] =	stream.strided.scatter [tilespmem:s2], [sflag:$0x1], $0xC380, s13, s12, $0x38;
	[tilespmem:$0xC380] =	vst v63  }
0x14: {  	_ = 	snop  }
0x15: {  	[hbm4b:s5+s12] =	stream.strided.scatter [tilespmem:s2], [sflag:$0x1], $0xC380, s13, s12, $0x38;
	[tilespmem:$0xC380] =	vst v63  }
0x16: {  	_ = 	snop  }
0x17: {  	[hbm4b:s6+s12] =	stream.strided.scatter [tilespmem:s2], [sflag:$0x1], $0xC380, s13, s12, $0x38;
	[tilespmem:$0xC380] =	vst v63  }
0x18: {  	_ = 	snop  }
0x19: {  	[hbm4b:s7+s12] =	stream.strided.scatter [tilespmem:s2], [sflag:$0x1], $0xC380, s13, s12, $0x38;
	[tilespmem:$0xC380] =	vst v63  }
0x1a: {  	_ = 	snop  }
0x1b: {  	[hbm4b:s8+s12] =	stream.strided.scatter [tilespmem:s2], [sflag:$0x1], $0xC380, s13, s12, $0x38;
	[tilespmem:$0xC380] =	vst v63  }
0x1c: {  	_ = 	snop  }
0x1d: {  	[hbm4b:s9+s12] =	stream.strided.scatter [tilespmem:s2], [sflag:$0x1], $0xC380, s13, s12, $0x38;
	[tilespmem:$0xC380] =	vst v63  }
0x1e: {  	_ = 	snop  }
0x1f: {  	[hbm4b:s10+s12] =	stream.strided.scatter [tilespmem:s2], [sflag:$0x1], $0xC380, s13, s12, $0x38;
	[tilespmem:$0xC380] =	vst v63  }
0x20: {  	_ =	swait.ge [sflag:s14], $0xC380  }
0x21: {  	[sflag:s14] =	ssyncset.done $0x0  }
0x22: {  	[sflag:s14] =	ssyncadd.s32 $0xFFFF3C80  }
0x23: {  	_ =	swait.ge [sflag:s14], $0xC380  }
0x24: {  	[sflag:s14] =	ssyncset.done $0x0  }
0x25: {  	[sflag:s14] =	ssyncadd.s32 $0xFFFF3C80  }
0x26: {  	_ =	swait.ge [sflag:s14], $0xC380  }
0x27: {  	[sflag:s14] =	ssyncset.done $0x0  }
0x28: {  	[sflag:s14] =	ssyncadd.s32 $0xFFFF3C80  }
0x29: {  	_ =	swait.ge [sflag:s14], $0xC380  }
0x2a: {  	[sflag:s14] =	ssyncset.done $0x0  }
0x2b: {  	[sflag:s14] =	ssyncadd.s32 $0xFFFF3C80  }
0x2c: {  	_ =	swait.ge [sflag:s14], $0xC380  }
0x2d: {  	[sflag:s14] =	ssyncset.done $0x0  }
0x2e: {  	[sflag:s14] =	ssyncadd.s32 $0xFFFF3C80  }
0x2f: {  	_ =	swait.ge [sflag:s14], $0xC380  }
0x30: {  	[sflag:s14] =	ssyncset.done $0x0  }
0x31: {  	s15 =	sadd.s32 $0x1, s15;
	[sflag:s14] =	ssyncadd.s32 $0xFFFF3C80  }
0x32: {  	p0 =	sne.s32 s15, s11;
	_ =	swait.ge [sflag:s14], $0xC380  }
.Ltmp1:
0x33: {  	[sflag:s14] =	ssyncset.done $0x0;
	(pc) =	sbr.rel @p0 .LBB2_1-.Ltmp1, $4  }
0x34: {  	[sflag:s14] =	ssyncadd.s32 $0xFFFF3C80  }
0x35: {  	_ =	swait.ge [sflag:s14], $0xC380  }
0x36: {  	[sflag:s14] =	ssyncset.done $0x0  }
0x37: {  	[sflag:s14] =	ssyncadd.s32 $0xFFFF3C80  }
0x38: {  	_ =	sfence.sel $0x180000  }
0x39: {  	[bflag:$0x0] =	sbarrier.arrive $0xFFFF  }
0x3a: {  	p0 =	sne.s32 s0, $0x0;
	_ =	strace $0x90000047  }
0x3b: {  	s0 =	sadd.s32 @!p0 $0x100000, s1;
	[bflag:$0x2] =	sbarrier.arrive $0xFFFF  }
0x3c: {  	[sflag:s0] =	ssyncadd.tile.s32 @!p0 $0x1;
	_ =	shalt  }
.Lfunc_end2:
_tile_overlayer_lowered:
.L_overlay_start_2:
0x3d: {  	(tag) =	ssettag $0x2  }
0x3e: {  	s0 =	rddreg [dreg:$0x0];
	s2 =	stileid.u32  }
0x3f: {  	s1 =	rddreg [dreg:$0x1];
	p0 =	sne.s32 s2, $0x0  }
0x40: {  	s3 =	rddreg [dreg:$0x2];
	[bflag:$0x3] =	sbarrier.arrive $0xFFFF;
	s2 =	simm.s32 @!p0 $0x1C02  }
0x41: {  	[timem:s3], [sflag:s2] =	dma.local @!p0 [hbm:s0], s1  }
0x42: {  	s0 =	simm.s32 @!p0 $0x2  }
0x43: {  	_ =	swait.ge @!p0 [sflag:s0], s1  }
0x44: {  	s1 =	ssub.s32 @!p0 $0x0, s1;
	[sflag:s0] =	ssyncset.done @!p0 $0x0  }
0x45: {  	[sflag:s0] =	ssyncadd.s32 @!p0 s1  }
0x46: {  	[bflag:$0x3] =	sbarrier.arrive $0xFFFF  }
0x47: {  	_ =	shalt  }

</sc_bundles>
